<compile_context>
chip_gen: v7x
topology: tpu7x:2x2x1
jax: 0.10.2.dev20260603
libtpu: 0.0.44.dev20260713+nightly
codegen_flags: <defaults>
</compile_context>

<pallas_src>
import jax
import jax.numpy as jnp
from jax import lax
from jax.experimental import pallas as pl
from jax.experimental.pallas import tpu as pltpu
from jax.experimental.pallas import tpu_sc as plsc

D_MODEL = 128
CHUNK = 128
NBUF = 4
NUM_WORKERS = 32


def kernel(x, table):
    B, L = x.shape
    N = B * L
    rows_per_w = N // NUM_WORKERS
    nchunks = rows_per_w // CHUNK
    idx2d = x.reshape(N // CHUNK, CHUNK)
    mesh = plsc.VectorSubcoreMesh(core_axis_name="c", subcore_axis_name="s")

    @jax.jit
    def run(table, idx2d):
        @pl.kernel(
            out_type=jax.ShapeDtypeStruct((N, D_MODEL), table.dtype),
            mesh=mesh,
            scratch_types=[
                pltpu.VMEM((nchunks, CHUNK), jnp.int32),
            ]
            + [pltpu.VMEM((CHUNK, D_MODEL), jnp.float32)] * NBUF
            + [pltpu.VMEM_SHARED((16, 2, CHUNK, D_MODEL), jnp.float32)]
            + [pltpu.SemaphoreType.DMA] * (NBUF + 2),
        )
        def gather_kernel(table_hbm, idx_hbm, out_hbm, idx_v, *scratch):
            rows = scratch[:NBUF]
            spmem = scratch[NBUF]
            gsems = scratch[NBUF + 1:2 * NBUF + 1]
            wsems = scratch[2 * NBUF + 1:]
            sid = lax.axis_index("s")
            wid = lax.axis_index("s") * 2 + lax.axis_index("c")
            rbase = wid * rows_per_w
            ibase = wid * nchunks

            pltpu.sync_copy(idx_hbm.at[pl.ds(ibase, nchunks)], idx_v)

            def gather(c, b, start):
                cp = pltpu.make_async_copy(
                    table_hbm.at[idx_v.at[c]], rows[b], gsems[b]
                )
                cp.start() if start else cp.wait()

            def write(c, s, start):
                cp = pltpu.make_async_copy(
                    spmem.at[sid, s], out_hbm.at[pl.ds(rbase + c * CHUNK, CHUNK)],
                    wsems[s],
                )
                cp.start() if start else cp.wait()

            for b in range(NBUF):
                gather(b, b, True)

            @pl.loop(0, nchunks, step=NBUF)
            def _(i):
                for b in range(NBUF):
                    c = i + b
                    s = b % 2
                    gather(c, b, False)

                    @pl.when(c >= 2)
                    def _():
                        write(c - 2, s, False)

                    pltpu.sync_copy(rows[b], spmem.at[sid, s])
                    write(c, s, True)

                    @pl.when(c + NBUF < nchunks)
                    def _():
                        gather(c + NBUF, b, True)

            write(nchunks - 2, 0, False)
            write(nchunks - 1, 1, False)

        return gather_kernel(table, idx2d)

    out = run(table, idx2d)
    return out.reshape(B, L, D_MODEL)

# --- scband reference (transcript-rebuilt; emitter-appended) ---
"""Pipeline reference for scband-node-embeding-60687887892580 (READ-ONLY COPY).

The authoritative reference and input builder live on the scoring server;
editing this copy changes nothing except your own understanding.
"""

import jax, jax.numpy as jnp
import numpy as np

VOCAB = 100000
D_MODEL = 128
BATCH = 4096
HIST = 200

def setup_inputs(seed: int = 0) -> dict:
    key = jax.random.key(seed)
    k1, k2 = jax.random.split(key)
    x = jax.random.randint(k1, (BATCH, HIST), 0, VOCAB, dtype=jnp.int32)
    # learned (but frozen) embedding table sized per init_kwargs
    table = jax.random.normal(k2, (VOCAB, D_MODEL), dtype=jnp.float32)
    return {"x": x, "table": table}

def reference(x, table):
    # nn.Embedding lookup == row-gather from the table
    out = jnp.take(table, x, axis=0)  # [B, L, d_model]
    # original module returns .detach(): output carries no gradient
    return jax.lax.stop_gradient(out)

if __name__ == "__main__":
    import jax
    _d = setup_inputs()
    print(jax.jit(kernel)(*tuple(_d.values())))

</pallas_src>

<mosaic_0001>
#map = affine_map<(d0, d1) -> (0, 0)>
module attributes {stable_mosaic.version = 14 : i64} {
  func.func @gather_kernel(%arg0: i32, %arg1: i32, %arg2: memref<100000x128xf32, #tpu.memory_space<hbm>>, %arg3: memref<6400x128xi32, #tpu.memory_space<hbm>>, %arg4: memref<819200x128xf32, #tpu.memory_space<hbm>>, %arg5: memref<200x128xi32, #tpu.memory_space<vmem>>, %arg6: memref<128x128xf32, #tpu.memory_space<vmem>>, %arg7: memref<128x128xf32, #tpu.memory_space<vmem>>, %arg8: memref<128x128xf32, #tpu.memory_space<vmem>>, %arg9: memref<128x128xf32, #tpu.memory_space<vmem>>, %arg10: memref<16x2x128x128xf32, #tpu.memory_space<vmem_shared>>, %arg11: memref<!tpu.dma_semaphore, #tpu.memory_space<semaphore_mem>>, %arg12: memref<!tpu.dma_semaphore, #tpu.memory_space<semaphore_mem>>, %arg13: memref<!tpu.dma_semaphore, #tpu.memory_space<semaphore_mem>>, %arg14: memref<!tpu.dma_semaphore, #tpu.memory_space<semaphore_mem>>, %arg15: memref<!tpu.dma_semaphore, #tpu.memory_space<semaphore_mem>>, %arg16: memref<!tpu.dma_semaphore, #tpu.memory_space<semaphore_mem>>) attributes {dimension_semantics = [#tpu.dimension_semantics<core_parallel>, #tpu.dimension_semantics<subcore_parallel>], iteration_bounds = array<i64: 2, 16>, scalar_prefetch = 0 : i64, scratch_operands = 12 : i64, tpu.core_type = #tpu.core_type<sc_vector_subcore>, window_params = [{transform_indices = #map}, {transform_indices = #map}, {transform_indices = #map}]} {
    %mul3A = arith.constant 2 : i32
    %mul3A_0 = arith.muli %arg1, %mul3A : i32
    %add3A = arith.addi %mul3A_0, %arg0 : i32
    %mul3A_1 = arith.constant 25600 : i32
    %mul3A_2 = arith.muli %add3A, %mul3A_1 : i32
    %mul3A_3 = arith.constant 200 : i32
    %mul3A_4 = arith.muli %add3A, %mul3A_3 : i32
    "tpu.region"() ({
      %run_scoped3A = tpu.sem_alloc : memref<!tpu.dma_semaphore, #tpu.memory_space<semaphore_mem>>
      %dma_start3A_53 = arith.constant 0 : i32
      %dma_start3A_54 = tpu.memref_slice %arg3[%mul3A_4, %dma_start3A_53] : memref<6400x128xi32, #tpu.memory_space<hbm>> -> memref<200x128xi32, #tpu.memory_space<hbm>>
      %dma_start3A_55 = arith.constant 0 : i32
      %dma_start3A_56 = tpu.memref_slice %arg3[%mul3A_4, %dma_start3A_55] : memref<6400x128xi32, #tpu.memory_space<hbm>> -> memref<200x128xi32, #tpu.memory_space<hbm>>
      tpu.enqueue_dma source(%dma_start3A_56 : memref<200x128xi32, #tpu.memory_space<hbm>>) target(%arg5 : memref<200x128xi32, #tpu.memory_space<vmem>>) target_semaphore(%run_scoped3A : memref<!tpu.dma_semaphore, #tpu.memory_space<semaphore_mem>>)
      %dma_wait3A_57 = arith.constant 0 : i32
      %dma_wait3A_58 = tpu.memref_slice %arg3[%mul3A_4, %dma_wait3A_57] : memref<6400x128xi32, #tpu.memory_space<hbm>> -> memref<200x128xi32, #tpu.memory_space<hbm>>
      %dma_wait3A_59 = arith.constant 0 : i32
      %dma_wait3A_60 = tpu.memref_slice %arg3[%mul3A_4, %dma_wait3A_59] : memref<6400x128xi32, #tpu.memory_space<hbm>> -> memref<200x128xi32, #tpu.memory_space<hbm>>
      tpu.wait_dma2 semaphore(%run_scoped3A : memref<!tpu.dma_semaphore, #tpu.memory_space<semaphore_mem>>) src(%dma_wait3A_60 : memref<200x128xi32, #tpu.memory_space<hbm>>) dst(%arg5 : memref<200x128xi32, #tpu.memory_space<vmem>>)
      tpu.yield
    }) : () -> ()
    %dma_start3A = arith.constant 0 : i32
    %dma_start3A_5 = arith.constant 0 : i32
    %dma_start3A_6 = tpu.memref_slice %arg5[%dma_start3A, %dma_start3A_5] : memref<200x128xi32, #tpu.memory_space<vmem>> -> memref<1x128xi32, #tpu.memory_space<vmem>>
    %dma_start3A_7 = tpu.memref_squeeze %dma_start3A_6 : memref<1x128xi32, #tpu.memory_space<vmem>> -> memref<128xi32, #tpu.memory_space<vmem>>
    %dma_start3A_8 = arith.constant 0 : i32
    %dma_start3A_9 = arith.constant 0 : i32
    %dma_start3A_10 = tpu.memref_slice %arg2[%dma_start3A_8, %dma_start3A_9] : memref<100000x128xf32, #tpu.memory_space<hbm>> -> memref<100000x128xf32, #tpu.memory_space<hbm>>
    tpu.enqueue_indirect_dma source(%dma_start3A_10 : memref<100000x128xf32, #tpu.memory_space<hbm>>) target(%arg6 : memref<128x128xf32, #tpu.memory_space<vmem>>) offsets(%dma_start3A_7 : memref<128xi32, #tpu.memory_space<vmem>>) semaphore(%arg11 : memref<!tpu.dma_semaphore, #tpu.memory_space<semaphore_mem>>)
    %dma_start3A_11 = arith.constant 1 : i32
    %dma_start3A_12 = arith.constant 0 : i32
    %dma_start3A_13 = tpu.memref_slice %arg5[%dma_start3A_11, %dma_start3A_12] : memref<200x128xi32, #tpu.memory_space<vmem>> -> memref<1x128xi32, #tpu.memory_space<vmem>>
    %dma_start3A_14 = tpu.memref_squeeze %dma_start3A_13 : memref<1x128xi32, #tpu.memory_space<vmem>> -> memref<128xi32, #tpu.memory_space<vmem>>
    %dma_start3A_15 = arith.constant 0 : i32
    %dma_start3A_16 = arith.constant 0 : i32
    %dma_start3A_17 = tpu.memref_slice %arg2[%dma_start3A_15, %dma_start3A_16] : memref<100000x128xf32, #tpu.memory_space<hbm>> -> memref<100000x128xf32, #tpu.memory_space<hbm>>
    tpu.enqueue_indirect_dma source(%dma_start3A_17 : memref<100000x128xf32, #tpu.memory_space<hbm>>) target(%arg7 : memref<128x128xf32, #tpu.memory_space<vmem>>) offsets(%dma_start3A_14 : memref<128xi32, #tpu.memory_space<vmem>>) semaphore(%arg12 : memref<!tpu.dma_semaphore, #tpu.memory_space<semaphore_mem>>)
    %dma_start3A_18 = arith.constant 2 : i32
    %dma_start3A_19 = arith.constant 0 : i32
    %dma_start3A_20 = tpu.memref_slice %arg5[%dma_start3A_18, %dma_start3A_19] : memref<200x128xi32, #tpu.memory_space<vmem>> -> memref<1x128xi32, #tpu.memory_space<vmem>>
    %dma_start3A_21 = tpu.memref_squeeze %dma_start3A_20 : memref<1x128xi32, #tpu.memory_space<vmem>> -> memref<128xi32, #tpu.memory_space<vmem>>
    %dma_start3A_22 = arith.constant 0 : i32
    %dma_start3A_23 = arith.constant 0 : i32
    %dma_start3A_24 = tpu.memref_slice %arg2[%dma_start3A_22, %dma_start3A_23] : memref<100000x128xf32, #tpu.memory_space<hbm>> -> memref<100000x128xf32, #tpu.memory_space<hbm>>
    tpu.enqueue_indirect_dma source(%dma_start3A_24 : memref<100000x128xf32, #tpu.memory_space<hbm>>) target(%arg8 : memref<128x128xf32, #tpu.memory_space<vmem>>) offsets(%dma_start3A_21 : memref<128xi32, #tpu.memory_space<vmem>>) semaphore(%arg13 : memref<!tpu.dma_semaphore, #tpu.memory_space<semaphore_mem>>)
    %dma_start3A_25 = arith.constant 3 : i32
    %dma_start3A_26 = arith.constant 0 : i32
    %dma_start3A_27 = tpu.memref_slice %arg5[%dma_start3A_25, %dma_start3A_26] : memref<200x128xi32, #tpu.memory_space<vmem>> -> memref<1x128xi32, #tpu.memory_space<vmem>>
    %dma_start3A_28 = tpu.memref_squeeze %dma_start3A_27 : memref<1x128xi32, #tpu.memory_space<vmem>> -> memref<128xi32, #tpu.memory_space<vmem>>
    %dma_start3A_29 = arith.constant 0 : i32
    %dma_start3A_30 = arith.constant 0 : i32
    %dma_start3A_31 = tpu.memref_slice %arg2[%dma_start3A_29, %dma_start3A_30] : memref<100000x128xf32, #tpu.memory_space<hbm>> -> memref<100000x128xf32, #tpu.memory_space<hbm>>
    tpu.enqueue_indirect_dma source(%dma_start3A_31 : memref<100000x128xf32, #tpu.memory_space<hbm>>) target(%arg9 : memref<128x128xf32, #tpu.memory_space<vmem>>) offsets(%dma_start3A_28 : memref<128xi32, #tpu.memory_space<vmem>>) semaphore(%arg14 : memref<!tpu.dma_semaphore, #tpu.memory_space<semaphore_mem>>)
    %scan3A = arith.constant 0 : i32
    %scan3A_32 = arith.constant 50 : i32
    %scan3A_33 = arith.addi %scan3A, %scan3A_32 : i32
    %scan3A_34 = arith.constant 1 : i32
    scf.for %scan3A_53 = %scan3A to %scan3A_33 step %scan3A_34  : i32 {
      %mul3A_54 = arith.constant 4 : i32
      %mul3A_55 = arith.muli %scan3A_53, %mul3A_54 : i32
      %add3A_56 = arith.constant 0 : i32
      %add3A_57 = arith.addi %add3A_56, %mul3A_55 : i32
      %add3A_58 = arith.constant 0 : i32
      %add3A_59 = arith.addi %add3A_57, %add3A_58 : i32
      %dma_wait3A_60 = arith.constant 0 : i32
      %dma_wait3A_61 = tpu.memref_slice %arg5[%add3A_59, %dma_wait3A_60] : memref<200x128xi32, #tpu.memory_space<vmem>> -> memref<1x128xi32, #tpu.memory_space<vmem>>
      %dma_wait3A_62 = tpu.memref_squeeze %dma_wait3A_61 : memref<1x128xi32, #tpu.memory_space<vmem>> -> memref<128xi32, #tpu.memory_space<vmem>>
      %dma_wait3A_63 = arith.constant 0 : i32
      %dma_wait3A_64 = arith.constant 0 : i32
      %dma_wait3A_65 = tpu.memref_slice %arg2[%dma_wait3A_63, %dma_wait3A_64] : memref<100000x128xf32, #tpu.memory_space<hbm>> -> memref<100000x128xf32, #tpu.memory_space<hbm>>
      tpu.wait_indirect_dma semaphore(%arg11 : memref<!tpu.dma_semaphore, #tpu.memory_space<semaphore_mem>>) src(%dma_wait3A_65 : memref<100000x128xf32, #tpu.memory_space<hbm>>) dst(%arg6 : memref<128x128xf32, #tpu.memory_space<vmem>>)
      %ge3A = arith.constant 2 : i32
      %ge3A_66 = arith.cmpi sge, %add3A_59, %ge3A : i32
      %convert_element_type3A = arith.extui %ge3A_66 : i1 to i32
      %cond3A = arith.constant 0 : i32
      %cond3A_67 = arith.cmpi ne, %convert_element_type3A, %cond3A : i32
      scf.if %cond3A_67 {
        %sub3A = arith.constant 2 : i32
        %sub3A_177 = arith.subi %add3A_59, %sub3A : i32
        %mul3A_178 = arith.constant 128 : i32
        %mul3A_179 = arith.muli %sub3A_177, %mul3A_178 : i32
        %add3A_180 = arith.addi %mul3A_2, %mul3A_179 : i32
        %dma_wait3A_181 = arith.constant 0 : i32
        %dma_wait3A_182 = arith.constant 0 : i32
        %dma_wait3A_183 = tpu.memref_slice %arg4[%add3A_180, %dma_wait3A_182] : memref<819200x128xf32, #tpu.memory_space<hbm>> -> memref<128x128xf32, #tpu.memory_space<hbm>>
        %dma_wait3A_184 = arith.constant 0 : i32
        %dma_wait3A_185 = arith.constant 0 : i32
        %dma_wait3A_186 = tpu.memref_slice %arg10[%arg1, %dma_wait3A_181, %dma_wait3A_184, %dma_wait3A_185] : memref<16x2x128x128xf32, #tpu.memory_space<vmem_shared>> -> memref<1x1x128x128xf32, #tpu.memory_space<vmem_shared>>
        %dma_wait3A_187 = tpu.memref_squeeze %dma_wait3A_186 : memref<1x1x128x128xf32, #tpu.memory_space<vmem_shared>> -> memref<128x128xf32, #tpu.memory_space<vmem_shared>>
        tpu.wait_dma2 semaphore(%arg15 : memref<!tpu.dma_semaphore, #tpu.memory_space<semaphore_mem>>) src(%dma_wait3A_187 : memref<128x128xf32, #tpu.memory_space<vmem_shared>>) dst(%dma_wait3A_183 : memref<128x128xf32, #tpu.memory_space<hbm>>)
      } else {
      }
      %run_scoped3A = arith.constant 0 : i32
      "tpu.region"() ({
        %run_scoped3A_177 = tpu.sem_alloc : memref<!tpu.dma_semaphore, #tpu.memory_space<semaphore_mem>>
        %dma_start3A_178 = arith.constant 0 : i32
        %dma_start3A_179 = arith.constant 0 : i32
        %dma_start3A_180 = tpu.memref_slice %arg10[%arg1, %run_scoped3A, %dma_start3A_178, %dma_start3A_179] : memref<16x2x128x128xf32, #tpu.memory_space<vmem_shared>> -> memref<1x1x128x128xf32, #tpu.memory_space<vmem_shared>>
        %dma_start3A_181 = tpu.memref_squeeze %dma_start3A_180 : memref<1x1x128x128xf32, #tpu.memory_space<vmem_shared>> -> memref<128x128xf32, #tpu.memory_space<vmem_shared>>
        %dma_start3A_182 = arith.constant 0 : i32
        %dma_start3A_183 = arith.constant 0 : i32
        %dma_start3A_184 = tpu.memref_slice %arg10[%arg1, %run_scoped3A, %dma_start3A_182, %dma_start3A_183] : memref<16x2x128x128xf32, #tpu.memory_space<vmem_shared>> -> memref<1x1x128x128xf32, #tpu.memory_space<vmem_shared>>
        %dma_start3A_185 = tpu.memref_squeeze %dma_start3A_184 : memref<1x1x128x128xf32, #tpu.memory_space<vmem_shared>> -> memref<128x128xf32, #tpu.memory_space<vmem_shared>>
        tpu.enqueue_dma source(%arg6 : memref<128x128xf32, #tpu.memory_space<vmem>>) target(%dma_start3A_185 : memref<128x128xf32, #tpu.memory_space<vmem_shared>>) target_semaphore(%run_scoped3A_177 : memref<!tpu.dma_semaphore, #tpu.memory_space<semaphore_mem>>)
        %dma_wait3A_186 = arith.constant 0 : i32
        %dma_wait3A_187 = arith.constant 0 : i32
        %dma_wait3A_188 = tpu.memref_slice %arg10[%arg1, %run_scoped3A, %dma_wait3A_186, %dma_wait3A_187] : memref<16x2x128x128xf32, #tpu.memory_space<vmem_shared>> -> memref<1x1x128x128xf32, #tpu.memory_space<vmem_shared>>
        %dma_wait3A_189 = tpu.memref_squeeze %dma_wait3A_188 : memref<1x1x128x128xf32, #tpu.memory_space<vmem_shared>> -> memref<128x128xf32, #tpu.memory_space<vmem_shared>>
        %dma_wait3A_190 = arith.constant 0 : i32
        %dma_wait3A_191 = arith.constant 0 : i32
        %dma_wait3A_192 = tpu.memref_slice %arg10[%arg1, %run_scoped3A, %dma_wait3A_190, %dma_wait3A_191] : memref<16x2x128x128xf32, #tpu.memory_space<vmem_shared>> -> memref<1x1x128x128xf32, #tpu.memory_space<vmem_shared>>
        %dma_wait3A_193 = tpu.memref_squeeze %dma_wait3A_192 : memref<1x1x128x128xf32, #tpu.memory_space<vmem_shared>> -> memref<128x128xf32, #tpu.memory_space<vmem_shared>>
        tpu.wait_dma2 semaphore(%run_scoped3A_177 : memref<!tpu.dma_semaphore, #tpu.memory_space<semaphore_mem>>) src(%arg6 : memref<128x128xf32, #tpu.memory_space<vmem>>) dst(%dma_wait3A_193 : memref<128x128xf32, #tpu.memory_space<vmem_shared>>)
        tpu.yield
      }) : () -> ()
      %mul3A_68 = arith.constant 128 : i32
      %mul3A_69 = arith.muli %add3A_59, %mul3A_68 : i32
      %add3A_70 = arith.addi %mul3A_2, %mul3A_69 : i32
      %dma_start3A_71 = arith.constant 0 : i32
      %dma_start3A_72 = arith.constant 0 : i32
      %dma_start3A_73 = tpu.memref_slice %arg4[%add3A_70, %dma_start3A_72] : memref<819200x128xf32, #tpu.memory_space<hbm>> -> memref<128x128xf32, #tpu.memory_space<hbm>>
      %dma_start3A_74 = arith.constant 0 : i32
      %dma_start3A_75 = arith.constant 0 : i32
      %dma_start3A_76 = tpu.memref_slice %arg10[%arg1, %dma_start3A_71, %dma_start3A_74, %dma_start3A_75] : memref<16x2x128x128xf32, #tpu.memory_space<vmem_shared>> -> memref<1x1x128x128xf32, #tpu.memory_space<vmem_shared>>
      %dma_start3A_77 = tpu.memref_squeeze %dma_start3A_76 : memref<1x1x128x128xf32, #tpu.memory_space<vmem_shared>> -> memref<128x128xf32, #tpu.memory_space<vmem_shared>>
      tpu.enqueue_dma source(%dma_start3A_77 : memref<128x128xf32, #tpu.memory_space<vmem_shared>>) target(%dma_start3A_73 : memref<128x128xf32, #tpu.memory_space<hbm>>) target_semaphore(%arg15 : memref<!tpu.dma_semaphore, #tpu.memory_space<semaphore_mem>>)
      %add3A_78 = arith.constant 4 : i32
      %add3A_79 = arith.addi %add3A_59, %add3A_78 : i32
      %lt3A = arith.constant 200 : i32
      %lt3A_80 = arith.cmpi slt, %add3A_79, %lt3A : i32
      %convert_element_type3A_81 = arith.extui %lt3A_80 : i1 to i32
      %cond3A_82 = arith.constant 0 : i32
      %cond3A_83 = arith.cmpi ne, %convert_element_type3A_81, %cond3A_82 : i32
      scf.if %cond3A_83 {
        %add3A_177 = arith.constant 4 : i32
        %add3A_178 = arith.addi %add3A_59, %add3A_177 : i32
        %dma_start3A_179 = arith.constant 0 : i32
        %dma_start3A_180 = tpu.memref_slice %arg5[%add3A_178, %dma_start3A_179] : memref<200x128xi32, #tpu.memory_space<vmem>> -> memref<1x128xi32, #tpu.memory_space<vmem>>
        %dma_start3A_181 = tpu.memref_squeeze %dma_start3A_180 : memref<1x128xi32, #tpu.memory_space<vmem>> -> memref<128xi32, #tpu.memory_space<vmem>>
        %dma_start3A_182 = arith.constant 0 : i32
        %dma_start3A_183 = arith.constant 0 : i32
        %dma_start3A_184 = tpu.memref_slice %arg2[%dma_start3A_182, %dma_start3A_183] : memref<100000x128xf32, #tpu.memory_space<hbm>> -> memref<100000x128xf32, #tpu.memory_space<hbm>>
        tpu.enqueue_indirect_dma source(%dma_start3A_184 : memref<100000x128xf32, #tpu.memory_space<hbm>>) target(%arg6 : memref<128x128xf32, #tpu.memory_space<vmem>>) offsets(%dma_start3A_181 : memref<128xi32, #tpu.memory_space<vmem>>) semaphore(%arg11 : memref<!tpu.dma_semaphore, #tpu.memory_space<semaphore_mem>>)
      } else {
      }
      %add3A_84 = arith.constant 1 : i32
      %add3A_85 = arith.addi %add3A_57, %add3A_84 : i32
      %dma_wait3A_86 = arith.constant 0 : i32
      %dma_wait3A_87 = tpu.memref_slice %arg5[%add3A_85, %dma_wait3A_86] : memref<200x128xi32, #tpu.memory_space<vmem>> -> memref<1x128xi32, #tpu.memory_space<vmem>>
      %dma_wait3A_88 = tpu.memref_squeeze %dma_wait3A_87 : memref<1x128xi32, #tpu.memory_space<vmem>> -> memref<128xi32, #tpu.memory_space<vmem>>
      %dma_wait3A_89 = arith.constant 0 : i32
      %dma_wait3A_90 = arith.constant 0 : i32
      %dma_wait3A_91 = tpu.memref_slice %arg2[%dma_wait3A_89, %dma_wait3A_90] : memref<100000x128xf32, #tpu.memory_space<hbm>> -> memref<100000x128xf32, #tpu.memory_space<hbm>>
      tpu.wait_indirect_dma semaphore(%arg12 : memref<!tpu.dma_semaphore, #tpu.memory_space<semaphore_mem>>) src(%dma_wait3A_91 : memref<100000x128xf32, #tpu.memory_space<hbm>>) dst(%arg7 : memref<128x128xf32, #tpu.memory_space<vmem>>)
      %ge3A_92 = arith.constant 2 : i32
      %ge3A_93 = arith.cmpi sge, %add3A_85, %ge3A_92 : i32
      %convert_element_type3A_94 = arith.extui %ge3A_93 : i1 to i32
      %cond3A_95 = arith.constant 0 : i32
      %cond3A_96 = arith.cmpi ne, %convert_element_type3A_94, %cond3A_95 : i32
      scf.if %cond3A_96 {
        %sub3A = arith.constant 2 : i32
        %sub3A_177 = arith.subi %add3A_85, %sub3A : i32
        %mul3A_178 = arith.constant 128 : i32
        %mul3A_179 = arith.muli %sub3A_177, %mul3A_178 : i32
        %add3A_180 = arith.addi %mul3A_2, %mul3A_179 : i32
        %dma_wait3A_181 = arith.constant 1 : i32
        %dma_wait3A_182 = arith.constant 0 : i32
        %dma_wait3A_183 = tpu.memref_slice %arg4[%add3A_180, %dma_wait3A_182] : memref<819200x128xf32, #tpu.memory_space<hbm>> -> memref<128x128xf32, #tpu.memory_space<hbm>>
        %dma_wait3A_184 = arith.constant 0 : i32
        %dma_wait3A_185 = arith.constant 0 : i32
        %dma_wait3A_186 = tpu.memref_slice %arg10[%arg1, %dma_wait3A_181, %dma_wait3A_184, %dma_wait3A_185] : memref<16x2x128x128xf32, #tpu.memory_space<vmem_shared>> -> memref<1x1x128x128xf32, #tpu.memory_space<vmem_shared>>
        %dma_wait3A_187 = tpu.memref_squeeze %dma_wait3A_186 : memref<1x1x128x128xf32, #tpu.memory_space<vmem_shared>> -> memref<128x128xf32, #tpu.memory_space<vmem_shared>>
        tpu.wait_dma2 semaphore(%arg16 : memref<!tpu.dma_semaphore, #tpu.memory_space<semaphore_mem>>) src(%dma_wait3A_187 : memref<128x128xf32, #tpu.memory_space<vmem_shared>>) dst(%dma_wait3A_183 : memref<128x128xf32, #tpu.memory_space<hbm>>)
      } else {
      }
      %run_scoped3A_97 = arith.constant 1 : i32
      "tpu.region"() ({
        %run_scoped3A_177 = tpu.sem_alloc : memref<!tpu.dma_semaphore, #tpu.memory_space<semaphore_mem>>
        %dma_start3A_178 = arith.constant 0 : i32
        %dma_start3A_179 = arith.constant 0 : i32
        %dma_start3A_180 = tpu.memref_slice %arg10[%arg1, %run_scoped3A_97, %dma_start3A_178, %dma_start3A_179] : memref<16x2x128x128xf32, #tpu.memory_space<vmem_shared>> -> memref<1x1x128x128xf32, #tpu.memory_space<vmem_shared>>
        %dma_start3A_181 = tpu.memref_squeeze %dma_start3A_180 : memref<1x1x128x128xf32, #tpu.memory_space<vmem_shared>> -> memref<128x128xf32, #tpu.memory_space<vmem_shared>>
        %dma_start3A_182 = arith.constant 0 : i32
        %dma_start3A_183 = arith.constant 0 : i32
        %dma_start3A_184 = tpu.memref_slice %arg10[%arg1, %run_scoped3A_97, %dma_start3A_182, %dma_start3A_183] : memref<16x2x128x128xf32, #tpu.memory_space<vmem_shared>> -> memref<1x1x128x128xf32, #tpu.memory_space<vmem_shared>>
        %dma_start3A_185 = tpu.memref_squeeze %dma_start3A_184 : memref<1x1x128x128xf32, #tpu.memory_space<vmem_shared>> -> memref<128x128xf32, #tpu.memory_space<vmem_shared>>
        tpu.enqueue_dma source(%arg7 : memref<128x128xf32, #tpu.memory_space<vmem>>) target(%dma_start3A_185 : memref<128x128xf32, #tpu.memory_space<vmem_shared>>) target_semaphore(%run_scoped3A_177 : memref<!tpu.dma_semaphore, #tpu.memory_space<semaphore_mem>>)
        %dma_wait3A_186 = arith.constant 0 : i32
        %dma_wait3A_187 = arith.constant 0 : i32
        %dma_wait3A_188 = tpu.memref_slice %arg10[%arg1, %run_scoped3A_97, %dma_wait3A_186, %dma_wait3A_187] : memref<16x2x128x128xf32, #tpu.memory_space<vmem_shared>> -> memref<1x1x128x128xf32, #tpu.memory_space<vmem_shared>>
        %dma_wait3A_189 = tpu.memref_squeeze %dma_wait3A_188 : memref<1x1x128x128xf32, #tpu.memory_space<vmem_shared>> -> memref<128x128xf32, #tpu.memory_space<vmem_shared>>
        %dma_wait3A_190 = arith.constant 0 : i32
        %dma_wait3A_191 = arith.constant 0 : i32
        %dma_wait3A_192 = tpu.memref_slice %arg10[%arg1, %run_scoped3A_97, %dma_wait3A_190, %dma_wait3A_191] : memref<16x2x128x128xf32, #tpu.memory_space<vmem_shared>> -> memref<1x1x128x128xf32, #tpu.memory_space<vmem_shared>>
        %dma_wait3A_193 = tpu.memref_squeeze %dma_wait3A_192 : memref<1x1x128x128xf32, #tpu.memory_space<vmem_shared>> -> memref<128x128xf32, #tpu.memory_space<vmem_shared>>
        tpu.wait_dma2 semaphore(%run_scoped3A_177 : memref<!tpu.dma_semaphore, #tpu.memory_space<semaphore_mem>>) src(%arg7 : memref<128x128xf32, #tpu.memory_space<vmem>>) dst(%dma_wait3A_193 : memref<128x128xf32, #tpu.memory_space<vmem_shared>>)
        tpu.yield
      }) : () -> ()
      %mul3A_98 = arith.constant 128 : i32
      %mul3A_99 = arith.muli %add3A_85, %mul3A_98 : i32
      %add3A_100 = arith.addi %mul3A_2, %mul3A_99 : i32
      %dma_start3A_101 = arith.constant 1 : i32
      %dma_start3A_102 = arith.constant 0 : i32
      %dma_start3A_103 = tpu.memref_slice %arg4[%add3A_100, %dma_start3A_102] : memref<819200x128xf32, #tpu.memory_space<hbm>> -> memref<128x128xf32, #tpu.memory_space<hbm>>
      %dma_start3A_104 = arith.constant 0 : i32
      %dma_start3A_105 = arith.constant 0 : i32
      %dma_start3A_106 = tpu.memref_slice %arg10[%arg1, %dma_start3A_101, %dma_start3A_104, %dma_start3A_105] : memref<16x2x128x128xf32, #tpu.memory_space<vmem_shared>> -> memref<1x1x128x128xf32, #tpu.memory_space<vmem_shared>>
      %dma_start3A_107 = tpu.memref_squeeze %dma_start3A_106 : memref<1x1x128x128xf32, #tpu.memory_space<vmem_shared>> -> memref<128x128xf32, #tpu.memory_space<vmem_shared>>
      tpu.enqueue_dma source(%dma_start3A_107 : memref<128x128xf32, #tpu.memory_space<vmem_shared>>) target(%dma_start3A_103 : memref<128x128xf32, #tpu.memory_space<hbm>>) target_semaphore(%arg16 : memref<!tpu.dma_semaphore, #tpu.memory_space<semaphore_mem>>)
      %add3A_108 = arith.constant 4 : i32
      %add3A_109 = arith.addi %add3A_85, %add3A_108 : i32
      %lt3A_110 = arith.constant 200 : i32
      %lt3A_111 = arith.cmpi slt, %add3A_109, %lt3A_110 : i32
      %convert_element_type3A_112 = arith.extui %lt3A_111 : i1 to i32
      %cond3A_113 = arith.constant 0 : i32
      %cond3A_114 = arith.cmpi ne, %convert_element_type3A_112, %cond3A_113 : i32
      scf.if %cond3A_114 {
        %add3A_177 = arith.constant 4 : i32
        %add3A_178 = arith.addi %add3A_85, %add3A_177 : i32
        %dma_start3A_179 = arith.constant 0 : i32
        %dma_start3A_180 = tpu.memref_slice %arg5[%add3A_178, %dma_start3A_179] : memref<200x128xi32, #tpu.memory_space<vmem>> -> memref<1x128xi32, #tpu.memory_space<vmem>>
        %dma_start3A_181 = tpu.memref_squeeze %dma_start3A_180 : memref<1x128xi32, #tpu.memory_space<vmem>> -> memref<128xi32, #tpu.memory_space<vmem>>
        %dma_start3A_182 = arith.constant 0 : i32
        %dma_start3A_183 = arith.constant 0 : i32
        %dma_start3A_184 = tpu.memref_slice %arg2[%dma_start3A_182, %dma_start3A_183] : memref<100000x128xf32, #tpu.memory_space<hbm>> -> memref<100000x128xf32, #tpu.memory_space<hbm>>
        tpu.enqueue_indirect_dma source(%dma_start3A_184 : memref<100000x128xf32, #tpu.memory_space<hbm>>) target(%arg7 : memref<128x128xf32, #tpu.memory_space<vmem>>) offsets(%dma_start3A_181 : memref<128xi32, #tpu.memory_space<vmem>>) semaphore(%arg12 : memref<!tpu.dma_semaphore, #tpu.memory_space<semaphore_mem>>)
      } else {
      }
      %add3A_115 = arith.constant 2 : i32
      %add3A_116 = arith.addi %add3A_57, %add3A_115 : i32
      %dma_wait3A_117 = arith.constant 0 : i32
      %dma_wait3A_118 = tpu.memref_slice %arg5[%add3A_116, %dma_wait3A_117] : memref<200x128xi32, #tpu.memory_space<vmem>> -> memref<1x128xi32, #tpu.memory_space<vmem>>
      %dma_wait3A_119 = tpu.memref_squeeze %dma_wait3A_118 : memref<1x128xi32, #tpu.memory_space<vmem>> -> memref<128xi32, #tpu.memory_space<vmem>>
      %dma_wait3A_120 = arith.constant 0 : i32
      %dma_wait3A_121 = arith.constant 0 : i32
      %dma_wait3A_122 = tpu.memref_slice %arg2[%dma_wait3A_120, %dma_wait3A_121] : memref<100000x128xf32, #tpu.memory_space<hbm>> -> memref<100000x128xf32, #tpu.memory_space<hbm>>
      tpu.wait_indirect_dma semaphore(%arg13 : memref<!tpu.dma_semaphore, #tpu.memory_space<semaphore_mem>>) src(%dma_wait3A_122 : memref<100000x128xf32, #tpu.memory_space<hbm>>) dst(%arg8 : memref<128x128xf32, #tpu.memory_space<vmem>>)
      %ge3A_123 = arith.constant 2 : i32
      %ge3A_124 = arith.cmpi sge, %add3A_116, %ge3A_123 : i32
      %convert_element_type3A_125 = arith.extui %ge3A_124 : i1 to i32
      %cond3A_126 = arith.constant 0 : i32
      %cond3A_127 = arith.cmpi ne, %convert_element_type3A_125, %cond3A_126 : i32
      scf.if %cond3A_127 {
        %sub3A = arith.constant 2 : i32
        %sub3A_177 = arith.subi %add3A_116, %sub3A : i32
        %mul3A_178 = arith.constant 128 : i32
        %mul3A_179 = arith.muli %sub3A_177, %mul3A_178 : i32
        %add3A_180 = arith.addi %mul3A_2, %mul3A_179 : i32
        %dma_wait3A_181 = arith.constant 0 : i32
        %dma_wait3A_182 = arith.constant 0 : i32
        %dma_wait3A_183 = tpu.memref_slice %arg4[%add3A_180, %dma_wait3A_182] : memref<819200x128xf32, #tpu.memory_space<hbm>> -> memref<128x128xf32, #tpu.memory_space<hbm>>
        %dma_wait3A_184 = arith.constant 0 : i32
        %dma_wait3A_185 = arith.constant 0 : i32
        %dma_wait3A_186 = tpu.memref_slice %arg10[%arg1, %dma_wait3A_181, %dma_wait3A_184, %dma_wait3A_185] : memref<16x2x128x128xf32, #tpu.memory_space<vmem_shared>> -> memref<1x1x128x128xf32, #tpu.memory_space<vmem_shared>>
        %dma_wait3A_187 = tpu.memref_squeeze %dma_wait3A_186 : memref<1x1x128x128xf32, #tpu.memory_space<vmem_shared>> -> memref<128x128xf32, #tpu.memory_space<vmem_shared>>
        tpu.wait_dma2 semaphore(%arg15 : memref<!tpu.dma_semaphore, #tpu.memory_space<semaphore_mem>>) src(%dma_wait3A_187 : memref<128x128xf32, #tpu.memory_space<vmem_shared>>) dst(%dma_wait3A_183 : memref<128x128xf32, #tpu.memory_space<hbm>>)
      } else {
      }
      %run_scoped3A_128 = arith.constant 0 : i32
      "tpu.region"() ({
        %run_scoped3A_177 = tpu.sem_alloc : memref<!tpu.dma_semaphore, #tpu.memory_space<semaphore_mem>>
        %dma_start3A_178 = arith.constant 0 : i32
        %dma_start3A_179 = arith.constant 0 : i32
        %dma_start3A_180 = tpu.memref_slice %arg10[%arg1, %run_scoped3A_128, %dma_start3A_178, %dma_start3A_179] : memref<16x2x128x128xf32, #tpu.memory_space<vmem_shared>> -> memref<1x1x128x128xf32, #tpu.memory_space<vmem_shared>>
        %dma_start3A_181 = tpu.memref_squeeze %dma_start3A_180 : memref<1x1x128x128xf32, #tpu.memory_space<vmem_shared>> -> memref<128x128xf32, #tpu.memory_space<vmem_shared>>
        %dma_start3A_182 = arith.constant 0 : i32
        %dma_start3A_183 = arith.constant 0 : i32
        %dma_start3A_184 = tpu.memref_slice %arg10[%arg1, %run_scoped3A_128, %dma_start3A_182, %dma_start3A_183] : memref<16x2x128x128xf32, #tpu.memory_space<vmem_shared>> -> memref<1x1x128x128xf32, #tpu.memory_space<vmem_shared>>
        %dma_start3A_185 = tpu.memref_squeeze %dma_start3A_184 : memref<1x1x128x128xf32, #tpu.memory_space<vmem_shared>> -> memref<128x128xf32, #tpu.memory_space<vmem_shared>>
        tpu.enqueue_dma source(%arg8 : memref<128x128xf32, #tpu.memory_space<vmem>>) target(%dma_start3A_185 : memref<128x128xf32, #tpu.memory_space<vmem_shared>>) target_semaphore(%run_scoped3A_177 : memref<!tpu.dma_semaphore, #tpu.memory_space<semaphore_mem>>)
        %dma_wait3A_186 = arith.constant 0 : i32
        %dma_wait3A_187 = arith.constant 0 : i32
        %dma_wait3A_188 = tpu.memref_slice %arg10[%arg1, %run_scoped3A_128, %dma_wait3A_186, %dma_wait3A_187] : memref<16x2x128x128xf32, #tpu.memory_space<vmem_shared>> -> memref<1x1x128x128xf32, #tpu.memory_space<vmem_shared>>
        %dma_wait3A_189 = tpu.memref_squeeze %dma_wait3A_188 : memref<1x1x128x128xf32, #tpu.memory_space<vmem_shared>> -> memref<128x128xf32, #tpu.memory_space<vmem_shared>>
        %dma_wait3A_190 = arith.constant 0 : i32
        %dma_wait3A_191 = arith.constant 0 : i32
        %dma_wait3A_192 = tpu.memref_slice %arg10[%arg1, %run_scoped3A_128, %dma_wait3A_190, %dma_wait3A_191] : memref<16x2x128x128xf32, #tpu.memory_space<vmem_shared>> -> memref<1x1x128x128xf32, #tpu.memory_space<vmem_shared>>
        %dma_wait3A_193 = tpu.memref_squeeze %dma_wait3A_192 : memref<1x1x128x128xf32, #tpu.memory_space<vmem_shared>> -> memref<128x128xf32, #tpu.memory_space<vmem_shared>>
        tpu.wait_dma2 semaphore(%run_scoped3A_177 : memref<!tpu.dma_semaphore, #tpu.memory_space<semaphore_mem>>) src(%arg8 : memref<128x128xf32, #tpu.memory_space<vmem>>) dst(%dma_wait3A_193 : memref<128x128xf32, #tpu.memory_space<vmem_shared>>)
        tpu.yield
      }) : () -> ()
      %mul3A_129 = arith.constant 128 : i32
      %mul3A_130 = arith.muli %add3A_116, %mul3A_129 : i32
      %add3A_131 = arith.addi %mul3A_2, %mul3A_130 : i32
      %dma_start3A_132 = arith.constant 0 : i32
      %dma_start3A_133 = arith.constant 0 : i32
      %dma_start3A_134 = tpu.memref_slice %arg4[%add3A_131, %dma_start3A_133] : memref<819200x128xf32, #tpu.memory_space<hbm>> -> memref<128x128xf32, #tpu.memory_space<hbm>>
      %dma_start3A_135 = arith.constant 0 : i32
      %dma_start3A_136 = arith.constant 0 : i32
      %dma_start3A_137 = tpu.memref_slice %arg10[%arg1, %dma_start3A_132, %dma_start3A_135, %dma_start3A_136] : memref<16x2x128x128xf32, #tpu.memory_space<vmem_shared>> -> memref<1x1x128x128xf32, #tpu.memory_space<vmem_shared>>
      %dma_start3A_138 = tpu.memref_squeeze %dma_start3A_137 : memref<1x1x128x128xf32, #tpu.memory_space<vmem_shared>> -> memref<128x128xf32, #tpu.memory_space<vmem_shared>>
      tpu.enqueue_dma source(%dma_start3A_138 : memref<128x128xf32, #tpu.memory_space<vmem_shared>>) target(%dma_start3A_134 : memref<128x128xf32, #tpu.memory_space<hbm>>) target_semaphore(%arg15 : memref<!tpu.dma_semaphore, #tpu.memory_space<semaphore_mem>>)
      %add3A_139 = arith.constant 4 : i32
      %add3A_140 = arith.addi %add3A_116, %add3A_139 : i32
      %lt3A_141 = arith.constant 200 : i32
      %lt3A_142 = arith.cmpi slt, %add3A_140, %lt3A_141 : i32
      %convert_element_type3A_143 = arith.extui %lt3A_142 : i1 to i32
      %cond3A_144 = arith.constant 0 : i32
      %cond3A_145 = arith.cmpi ne, %convert_element_type3A_143, %cond3A_144 : i32
      scf.if %cond3A_145 {
        %add3A_177 = arith.constant 4 : i32
        %add3A_178 = arith.addi %add3A_116, %add3A_177 : i32
        %dma_start3A_179 = arith.constant 0 : i32
        %dma_start3A_180 = tpu.memref_slice %arg5[%add3A_178, %dma_start3A_179] : memref<200x128xi32, #tpu.memory_space<vmem>> -> memref<1x128xi32, #tpu.memory_space<vmem>>
        %dma_start3A_181 = tpu.memref_squeeze %dma_start3A_180 : memref<1x128xi32, #tpu.memory_space<vmem>> -> memref<128xi32, #tpu.memory_space<vmem>>
        %dma_start3A_182 = arith.constant 0 : i32
        %dma_start3A_183 = arith.constant 0 : i32
        %dma_start3A_184 = tpu.memref_slice %arg2[%dma_start3A_182, %dma_start3A_183] : memref<100000x128xf32, #tpu.memory_space<hbm>> -> memref<100000x128xf32, #tpu.memory_space<hbm>>
        tpu.enqueue_indirect_dma source(%dma_start3A_184 : memref<100000x128xf32, #tpu.memory_space<hbm>>) target(%arg8 : memref<128x128xf32, #tpu.memory_space<vmem>>) offsets(%dma_start3A_181 : memref<128xi32, #tpu.memory_space<vmem>>) semaphore(%arg13 : memref<!tpu.dma_semaphore, #tpu.memory_space<semaphore_mem>>)
      } else {
      }
      %add3A_146 = arith.constant 3 : i32
      %add3A_147 = arith.addi %add3A_57, %add3A_146 : i32
      %dma_wait3A_148 = arith.constant 0 : i32
      %dma_wait3A_149 = tpu.memref_slice %arg5[%add3A_147, %dma_wait3A_148] : memref<200x128xi32, #tpu.memory_space<vmem>> -> memref<1x128xi32, #tpu.memory_space<vmem>>
      %dma_wait3A_150 = tpu.memref_squeeze %dma_wait3A_149 : memref<1x128xi32, #tpu.memory_space<vmem>> -> memref<128xi32, #tpu.memory_space<vmem>>
      %dma_wait3A_151 = arith.constant 0 : i32
      %dma_wait3A_152 = arith.constant 0 : i32
      %dma_wait3A_153 = tpu.memref_slice %arg2[%dma_wait3A_151, %dma_wait3A_152] : memref<100000x128xf32, #tpu.memory_space<hbm>> -> memref<100000x128xf32, #tpu.memory_space<hbm>>
      tpu.wait_indirect_dma semaphore(%arg14 : memref<!tpu.dma_semaphore, #tpu.memory_space<semaphore_mem>>) src(%dma_wait3A_153 : memref<100000x128xf32, #tpu.memory_space<hbm>>) dst(%arg9 : memref<128x128xf32, #tpu.memory_space<vmem>>)
      %ge3A_154 = arith.constant 2 : i32
      %ge3A_155 = arith.cmpi sge, %add3A_147, %ge3A_154 : i32
      %convert_element_type3A_156 = arith.extui %ge3A_155 : i1 to i32
      %cond3A_157 = arith.constant 0 : i32
      %cond3A_158 = arith.cmpi ne, %convert_element_type3A_156, %cond3A_157 : i32
      scf.if %cond3A_158 {
        %sub3A = arith.constant 2 : i32
        %sub3A_177 = arith.subi %add3A_147, %sub3A : i32
        %mul3A_178 = arith.constant 128 : i32
        %mul3A_179 = arith.muli %sub3A_177, %mul3A_178 : i32
        %add3A_180 = arith.addi %mul3A_2, %mul3A_179 : i32
        %dma_wait3A_181 = arith.constant 1 : i32
        %dma_wait3A_182 = arith.constant 0 : i32
        %dma_wait3A_183 = tpu.memref_slice %arg4[%add3A_180, %dma_wait3A_182] : memref<819200x128xf32, #tpu.memory_space<hbm>> -> memref<128x128xf32, #tpu.memory_space<hbm>>
        %dma_wait3A_184 = arith.constant 0 : i32
        %dma_wait3A_185 = arith.constant 0 : i32
        %dma_wait3A_186 = tpu.memref_slice %arg10[%arg1, %dma_wait3A_181, %dma_wait3A_184, %dma_wait3A_185] : memref<16x2x128x128xf32, #tpu.memory_space<vmem_shared>> -> memref<1x1x128x128xf32, #tpu.memory_space<vmem_shared>>
        %dma_wait3A_187 = tpu.memref_squeeze %dma_wait3A_186 : memref<1x1x128x128xf32, #tpu.memory_space<vmem_shared>> -> memref<128x128xf32, #tpu.memory_space<vmem_shared>>
        tpu.wait_dma2 semaphore(%arg16 : memref<!tpu.dma_semaphore, #tpu.memory_space<semaphore_mem>>) src(%dma_wait3A_187 : memref<128x128xf32, #tpu.memory_space<vmem_shared>>) dst(%dma_wait3A_183 : memref<128x128xf32, #tpu.memory_space<hbm>>)
      } else {
      }
      %run_scoped3A_159 = arith.constant 1 : i32
      "tpu.region"() ({
        %run_scoped3A_177 = tpu.sem_alloc : memref<!tpu.dma_semaphore, #tpu.memory_space<semaphore_mem>>
        %dma_start3A_178 = arith.constant 0 : i32
        %dma_start3A_179 = arith.constant 0 : i32
        %dma_start3A_180 = tpu.memref_slice %arg10[%arg1, %run_scoped3A_159, %dma_start3A_178, %dma_start3A_179] : memref<16x2x128x128xf32, #tpu.memory_space<vmem_shared>> -> memref<1x1x128x128xf32, #tpu.memory_space<vmem_shared>>
        %dma_start3A_181 = tpu.memref_squeeze %dma_start3A_180 : memref<1x1x128x128xf32, #tpu.memory_space<vmem_shared>> -> memref<128x128xf32, #tpu.memory_space<vmem_shared>>
        %dma_start3A_182 = arith.constant 0 : i32
        %dma_start3A_183 = arith.constant 0 : i32
        %dma_start3A_184 = tpu.memref_slice %arg10[%arg1, %run_scoped3A_159, %dma_start3A_182, %dma_start3A_183] : memref<16x2x128x128xf32, #tpu.memory_space<vmem_shared>> -> memref<1x1x128x128xf32, #tpu.memory_space<vmem_shared>>
        %dma_start3A_185 = tpu.memref_squeeze %dma_start3A_184 : memref<1x1x128x128xf32, #tpu.memory_space<vmem_shared>> -> memref<128x128xf32, #tpu.memory_space<vmem_shared>>
        tpu.enqueue_dma source(%arg9 : memref<128x128xf32, #tpu.memory_space<vmem>>) target(%dma_start3A_185 : memref<128x128xf32, #tpu.memory_space<vmem_shared>>) target_semaphore(%run_scoped3A_177 : memref<!tpu.dma_semaphore, #tpu.memory_space<semaphore_mem>>)
        %dma_wait3A_186 = arith.constant 0 : i32
        %dma_wait3A_187 = arith.constant 0 : i32
        %dma_wait3A_188 = tpu.memref_slice %arg10[%arg1, %run_scoped3A_159, %dma_wait3A_186, %dma_wait3A_187] : memref<16x2x128x128xf32, #tpu.memory_space<vmem_shared>> -> memref<1x1x128x128xf32, #tpu.memory_space<vmem_shared>>
        %dma_wait3A_189 = tpu.memref_squeeze %dma_wait3A_188 : memref<1x1x128x128xf32, #tpu.memory_space<vmem_shared>> -> memref<128x128xf32, #tpu.memory_space<vmem_shared>>
        %dma_wait3A_190 = arith.constant 0 : i32
        %dma_wait3A_191 = arith.constant 0 : i32
        %dma_wait3A_192 = tpu.memref_slice %arg10[%arg1, %run_scoped3A_159, %dma_wait3A_190, %dma_wait3A_191] : memref<16x2x128x128xf32, #tpu.memory_space<vmem_shared>> -> memref<1x1x128x128xf32, #tpu.memory_space<vmem_shared>>
        %dma_wait3A_193 = tpu.memref_squeeze %dma_wait3A_192 : memref<1x1x128x128xf32, #tpu.memory_space<vmem_shared>> -> memref<128x128xf32, #tpu.memory_space<vmem_shared>>
        tpu.wait_dma2 semaphore(%run_scoped3A_177 : memref<!tpu.dma_semaphore, #tpu.memory_space<semaphore_mem>>) src(%arg9 : memref<128x128xf32, #tpu.memory_space<vmem>>) dst(%dma_wait3A_193 : memref<128x128xf32, #tpu.memory_space<vmem_shared>>)
        tpu.yield
      }) : () -> ()
      %mul3A_160 = arith.constant 128 : i32
      %mul3A_161 = arith.muli %add3A_147, %mul3A_160 : i32
      %add3A_162 = arith.addi %mul3A_2, %mul3A_161 : i32
      %dma_start3A_163 = arith.constant 1 : i32
      %dma_start3A_164 = arith.constant 0 : i32
      %dma_start3A_165 = tpu.memref_slice %arg4[%add3A_162, %dma_start3A_164] : memref<819200x128xf32, #tpu.memory_space<hbm>> -> memref<128x128xf32, #tpu.memory_space<hbm>>
      %dma_start3A_166 = arith.constant 0 : i32
      %dma_start3A_167 = arith.constant 0 : i32
      %dma_start3A_168 = tpu.memref_slice %arg10[%arg1, %dma_start3A_163, %dma_start3A_166, %dma_start3A_167] : memref<16x2x128x128xf32, #tpu.memory_space<vmem_shared>> -> memref<1x1x128x128xf32, #tpu.memory_space<vmem_shared>>
      %dma_start3A_169 = tpu.memref_squeeze %dma_start3A_168 : memref<1x1x128x128xf32, #tpu.memory_space<vmem_shared>> -> memref<128x128xf32, #tpu.memory_space<vmem_shared>>
      tpu.enqueue_dma source(%dma_start3A_169 : memref<128x128xf32, #tpu.memory_space<vmem_shared>>) target(%dma_start3A_165 : memref<128x128xf32, #tpu.memory_space<hbm>>) target_semaphore(%arg16 : memref<!tpu.dma_semaphore, #tpu.memory_space<semaphore_mem>>)
      %add3A_170 = arith.constant 4 : i32
      %add3A_171 = arith.addi %add3A_147, %add3A_170 : i32
      %lt3A_172 = arith.constant 200 : i32
      %lt3A_173 = arith.cmpi slt, %add3A_171, %lt3A_172 : i32
      %convert_element_type3A_174 = arith.extui %lt3A_173 : i1 to i32
      %cond3A_175 = arith.constant 0 : i32
      %cond3A_176 = arith.cmpi ne, %convert_element_type3A_174, %cond3A_175 : i32
      scf.if %cond3A_176 {
        %add3A_177 = arith.constant 4 : i32
        %add3A_178 = arith.addi %add3A_147, %add3A_177 : i32
        %dma_start3A_179 = arith.constant 0 : i32
        %dma_start3A_180 = tpu.memref_slice %arg5[%add3A_178, %dma_start3A_179] : memref<200x128xi32, #tpu.memory_space<vmem>> -> memref<1x128xi32, #tpu.memory_space<vmem>>
        %dma_start3A_181 = tpu.memref_squeeze %dma_start3A_180 : memref<1x128xi32, #tpu.memory_space<vmem>> -> memref<128xi32, #tpu.memory_space<vmem>>
        %dma_start3A_182 = arith.constant 0 : i32
        %dma_start3A_183 = arith.constant 0 : i32
        %dma_start3A_184 = tpu.memref_slice %arg2[%dma_start3A_182, %dma_start3A_183] : memref<100000x128xf32, #tpu.memory_space<hbm>> -> memref<100000x128xf32, #tpu.memory_space<hbm>>
        tpu.enqueue_indirect_dma source(%dma_start3A_184 : memref<100000x128xf32, #tpu.memory_space<hbm>>) target(%arg9 : memref<128x128xf32, #tpu.memory_space<vmem>>) offsets(%dma_start3A_181 : memref<128xi32, #tpu.memory_space<vmem>>) semaphore(%arg14 : memref<!tpu.dma_semaphore, #tpu.memory_space<semaphore_mem>>)
      } else {
      }
    }
    %scan3A_35 = arith.constant 50 : i32
    %add3A_36 = arith.constant 25344 : i32
    %add3A_37 = arith.addi %mul3A_2, %add3A_36 : i32
    %dma_wait3A = arith.constant 0 : i32
    %dma_wait3A_38 = arith.constant 0 : i32
    %dma_wait3A_39 = tpu.memref_slice %arg4[%add3A_37, %dma_wait3A_38] : memref<819200x128xf32, #tpu.memory_space<hbm>> -> memref<128x128xf32, #tpu.memory_space<hbm>>
    %dma_wait3A_40 = arith.constant 0 : i32
    %dma_wait3A_41 = arith.constant 0 : i32
    %dma_wait3A_42 = tpu.memref_slice %arg10[%arg1, %dma_wait3A, %dma_wait3A_40, %dma_wait3A_41] : memref<16x2x128x128xf32, #tpu.memory_space<vmem_shared>> -> memref<1x1x128x128xf32, #tpu.memory_space<vmem_shared>>
    %dma_wait3A_43 = tpu.memref_squeeze %dma_wait3A_42 : memref<1x1x128x128xf32, #tpu.memory_space<vmem_shared>> -> memref<128x128xf32, #tpu.memory_space<vmem_shared>>
    tpu.wait_dma2 semaphore(%arg15 : memref<!tpu.dma_semaphore, #tpu.memory_space<semaphore_mem>>) src(%dma_wait3A_43 : memref<128x128xf32, #tpu.memory_space<vmem_shared>>) dst(%dma_wait3A_39 : memref<128x128xf32, #tpu.memory_space<hbm>>)
    %add3A_44 = arith.constant 25472 : i32
    %add3A_45 = arith.addi %mul3A_2, %add3A_44 : i32
    %dma_wait3A_46 = arith.constant 1 : i32
    %dma_wait3A_47 = arith.constant 0 : i32
    %dma_wait3A_48 = tpu.memref_slice %arg4[%add3A_45, %dma_wait3A_47] : memref<819200x128xf32, #tpu.memory_space<hbm>> -> memref<128x128xf32, #tpu.memory_space<hbm>>
    %dma_wait3A_49 = arith.constant 0 : i32
    %dma_wait3A_50 = arith.constant 0 : i32
    %dma_wait3A_51 = tpu.memref_slice %arg10[%arg1, %dma_wait3A_46, %dma_wait3A_49, %dma_wait3A_50] : memref<16x2x128x128xf32, #tpu.memory_space<vmem_shared>> -> memref<1x1x128x128xf32, #tpu.memory_space<vmem_shared>>
    %dma_wait3A_52 = tpu.memref_squeeze %dma_wait3A_51 : memref<1x1x128x128xf32, #tpu.memory_space<vmem_shared>> -> memref<128x128xf32, #tpu.memory_space<vmem_shared>>
    tpu.wait_dma2 semaphore(%arg16 : memref<!tpu.dma_semaphore, #tpu.memory_space<semaphore_mem>>) src(%dma_wait3A_52 : memref<128x128xf32, #tpu.memory_space<vmem_shared>>) dst(%dma_wait3A_48 : memref<128x128xf32, #tpu.memory_space<hbm>>)
    return
  }
}

</mosaic_0001>

<sc_bundles>
// kernel: run.3.cloned.1.call-start
scs
__scs_entry_jumppad:
0x0: {  	(pc) =	sbr.rel $0x88, $3  }
0x1: {  	(tag) =	ssettag $0x0;
	lr =	simm.s32 $0x1  }
0x2: {  	[smem:$0x3F9F] =	sst lr;
	_ =	strace $0xD0000000  }
0x3: {  	_ = 	snop  }
0x4: {  	_ = 	snop  }
0x5: {  	_ = 	snop  }
0x6: {  	_ = 	snop  }
0x7: {  	_ = 	snop  }
__scs_overlays_trampoline_lowered:
0x8: {  	[smem:$0x3FAE] =	sst s0  }
0x9: {  	[smem:$0x3FAF] =	sst s1  }
0xa: {  	[smem:$0x3FB0] =	sst s2  }
0xb: {  	[smem:$0x3FB1] =	sst s3  }
0xc: {  	[smem:$0x3FB2] =	sst s4  }
0xd: {  	[smem:$0x3FB3] =	sst s5  }
0xe: {  	[smem:$0x3FB4] =	sst s6  }
0xf: {  	[smem:$0x3FB5] =	sst s7  }
0x10: {  	[smem:$0x3FB6] =	sst s8  }
0x11: {  	[smem:$0x3FB7] =	sst s9;
	s0 =	simm.s32 @!p0 $0x0  }
0x12: {  	s1 =	sld [smem:$0x3F9D];
	s0 =	simm.s32 @p0 $0x1  }
0x13: {  	[smem:$0x3FB8] =	sst s0;
	s0 =	simm.s32 @!p1 $0x0  }
0x14: {  	s2 =	sld [smem:$0x3F9C];
	s0 =	simm.s32 @p1 $0x1  }
0x15: {  	[smem:$0x3FB9] =	sst s0;
	s0 =	simm.s32 @!p2 $0x0  }
0x16: {  	s3 =	sld [smem:$0x3FDB];
	s0 =	simm.s32 @p2 $0x1  }
0x17: {  	s4 =	simm.s32 $0x1BF5;
	[smem:$0x3FBB] =	sst s0  }
0x18: {  	s0 =	sld [smem:$0x3F9E];
	_ =	swait.ge [sflag:s4], $0x0  }
0x19: {  	s7 =	sld [smem:$0x3F9F]  }
0x1a: {  	s8 =	sadd.s32 $0xFFFFE003, lr  }
0x1b: {  	s9 =	sadd.s32 $0xFFFFFEF7, lr;
	s5 =	simm.s32 $0xFFFFFFFF;
	p2 =	slt.u32 s8, $0xFFFFF086  }
0x1c: {  	p1 =	slt.u32 s9, $0xF7A;
	s5 =	simm.s32 @!p2 $0x0  }
0x1d: {  	s5 =	simm.s32 @p1 $0x1;
	p0 =	seq.s32 s7, s2  }
0x1e: {  	s7 =	smul.u32 @!p0 $0xF7A, s2;
	p2 =	seq.s32 @!p0 s5, $0x0  }
0x1f: {  	s9 =	smul.u32 $0xF7A, s1;
	s8 =	simm.s32 @!p0 $0x1BF5;
	p2 =	por !p2, p0  }
0x20: {  	[sflag:s8] =	ssyncset.s32 @!p0 $0xFFFFF086;
	s6 =	sadd.s32 @!p0 s3, s7;
	s7 =	simm.s32 @!p0 $0x108  }
0x21: {  	s3 =	sadd.s32 s3, s9;
	s6 =	sadd.s32 @!p0 $0x88, s6;
	s7 =	simm.s32 @p2 $0x1082  }
0x22: {  	[simem:s7], [sflag:s8] =	dma.local @!p0 [hbm:s6], $0xF7A  }
0x23: {  	s9 =	sor.u32 $0xD0000000, s2;
	s6 =	simm.s32 $0x108;
	_ =	swait.ge @!p0 [sflag:s8], $0x0  }
0x24: {  	s3 =	sadd.s32 $0x88, s3;
	s6 =	simm.s32 @!p1 $0x1082;
	[sflag:s4] =	ssyncset.s32 $0xFFFFF086  }
0x25: {  	[simem:s6], [sflag:s4] =	dma.local [hbm:s3], $0xF7A  }
0x26: {  	[smem:$0x3F9F] =	sst s1;
	(tag) =	ssettag s2;
	_ =	strace s9  }
0x27: {  	s1 =	sld [smem:$0x3FAF]  }
0x28: {  	s2 =	sld [smem:$0x3FB0]  }
0x29: {  	s4 =	sld [smem:$0x3FB2]  }
0x2a: {  	p0 =	seq.s32 s5, $0x0;
	s5 =	sld [smem:$0x3FB3]  }
0x2b: {  	s6 =	sld [smem:$0x3FB4]  }
0x2c: {  	s7 =	sld [smem:$0x3FB5]  }
0x2d: {  	s3 =	simm.s32 $0x108;
	s8 =	sld [smem:$0x3FB6]  }
0x2e: {  	s3 =	simm.s32 @!p0 $0x1082;
	s9 =	sld [smem:$0x3FB7]  }
0x2f: {  	lr =	sadd.s32 s0, s3;
	s0 =	sld [smem:$0x3FAE]  }
0x30: {  	s3 =	sld [smem:$0x3FB1]  }
0x31: {  	[smem:$0x3FBA] =	sst s10  }
0x32: {  	s10 =	sld [smem:$0x3FB8];
	_ =	sdelay $0x3  }
0x33: {  	p0 =	seq.s32 s10, $0x1;
	s10 =	sld [smem:$0x3FBA];
	_ =	sdelay $0x3  }
0x34: {  	[smem:$0x3FBA] =	sst s10  }
0x35: {  	s10 =	sld [smem:$0x3FB9];
	_ =	sdelay $0x3  }
0x36: {  	p1 =	seq.s32 s10, $0x1;
	s10 =	sld [smem:$0x3FBA];
	_ =	sdelay $0x3  }
0x37: {  	[smem:$0x3FBA] =	sst s10  }
0x38: {  	s10 =	sld [smem:$0x3FBB]  }
0x39: {  	_ = 	snop;
	(pc) =	sbr.ind lr, $3  }
0x3a: {  	_ = 	snop  }
0x3b: {  	_ = 	snop  }
0x3c: {  	p2 =	seq.s32 s10, $0x1;
	s10 =	sld [smem:$0x3FBA]  }
0x3d: {  	_ =	shalt  }
0x3e: {  	_ =	shalt  }
0x3f: {  	_ =	shalt  }
0x40: {  	_ =	shalt  }
0x41: {  	_ =	shalt  }
0x42: {  	_ =	shalt  }
0x43: {  	_ =	shalt  }
0x44: {  	_ =	shalt  }
0x45: {  	_ =	shalt  }
0x46: {  	_ =	shalt  }
0x47: {  	_ =	shalt  }
0x48: {  	_ =	shalt  }
0x49: {  	_ =	shalt  }
0x4a: {  	_ =	shalt  }
0x4b: {  	_ =	shalt  }
0x4c: {  	_ =	shalt  }
0x4d: {  	_ =	shalt  }
0x4e: {  	_ =	shalt  }
0x4f: {  	_ =	shalt  }
0x50: {  	_ =	shalt  }
0x51: {  	_ =	shalt  }
0x52: {  	_ =	shalt  }
0x53: {  	_ =	shalt  }
0x54: {  	_ =	shalt  }
0x55: {  	_ =	shalt  }
0x56: {  	_ =	shalt  }
0x57: {  	_ =	shalt  }
0x58: {  	_ =	shalt  }
0x59: {  	_ =	shalt  }
0x5a: {  	_ =	shalt  }
0x5b: {  	_ =	shalt  }
0x5c: {  	_ =	shalt  }
0x5d: {  	_ =	shalt  }
0x5e: {  	_ =	shalt  }
0x5f: {  	_ =	shalt  }
0x60: {  	_ =	shalt  }
0x61: {  	_ =	shalt  }
0x62: {  	_ =	shalt  }
0x63: {  	_ =	shalt  }
0x64: {  	_ =	shalt  }
0x65: {  	_ =	shalt  }
0x66: {  	_ =	shalt  }
0x67: {  	_ =	shalt  }
0x68: {  	_ =	shalt  }
0x69: {  	_ =	shalt  }
0x6a: {  	_ =	shalt  }
0x6b: {  	_ =	shalt  }
0x6c: {  	_ =	shalt  }
0x6d: {  	_ =	shalt  }
0x6e: {  	_ =	shalt  }
0x6f: {  	_ =	shalt  }
0x70: {  	_ =	shalt  }
0x71: {  	_ =	shalt  }
0x72: {  	_ =	shalt  }
0x73: {  	_ =	shalt  }
0x74: {  	_ =	shalt  }
0x75: {  	_ =	shalt  }
0x76: {  	_ =	shalt  }
0x77: {  	_ =	shalt  }
0x78: {  	_ =	shalt  }
0x79: {  	_ =	shalt  }
0x7a: {  	_ =	shalt  }
0x7b: {  	_ =	shalt  }
0x7c: {  	_ =	shalt  }
0x7d: {  	_ =	shalt  }
0x7e: {  	_ =	shalt  }
0x7f: {  	_ =	shalt  }
0x80: {  	_ =	shalt  }
0x81: {  	_ =	shalt  }
0x82: {  	_ =	shalt  }
0x83: {  	_ =	shalt  }
0x84: {  	_ =	shalt  }
0x85: {  	_ =	shalt  }
0x86: {  	_ =	shalt  }
0x87: {  	_ =	shalt  }
.Lfunc_end0:
.L_simem_size_0:
called_computation_lowered:
.L_overlay_start_0:
0x88: {  	s2 =	sld [smem:$0x3FD9]  }
0x89: {  	s3 =	sld [smem:$0x3FFE];
	_ =	sdelay $0x1  }
0x8a: {  	s1 =	srdreg.scid  }
0x8b: {  	s0 =	sand.u32 $0x1, s1  }
0x8c: {  	s18 =	sshll.u32 s0, $0xA;
	s2 =	sadd.s32 s3, s2  }
0x8d: {  	s2 =	sadd.s32 s2, s18  }
0x8e: {  	[smem:$0x3FC6] =	sst s2  }
0x8f: {  	_ = 	snop  }
0x90: {  	s2 =	sld [smem:$0x3FC9]  }
0x91: {  	s19 =	sld [smem:$0x3FC8]  }
0x92: {  	s4 =	sld [smem:$0x3FD0];
	(tm) =	ssettm $0x1  }
0x93: {  	s5 =	sld [smem:$0x3FFB];
	_ =	sdelay $0x3  }
0x94: {  	_ =	strace s5  }
0x95: {  	s5 =	sld [smem:$0x3FFC];
	_ =	sdelay $0x3  }
0x96: {  	_ =	strace s5  }
0x97: {  	s5 =	sld [smem:$0x3FFD];
	_ =	sdelay $0x3  }
0x98: {  	_ =	strace s5  }
0x99: {  	_ =	strace $0x8FFFFFFF  }
0x9a: {  	s20 =	sld [smem:$0x3FDB];
	_ =	sdelay $0x1  }
0x9b: {  	s6 =	simm.s32 $_scs_section_size  }
0x9c: {  	s7 =	simm.s32 $_size__tile_overlayer_lowered;
	s8 =	simm.s32 $_tile_overlayer_lowered  }
0x9d: {  	s23 =	simm.s32 $0x1BFF;
	s22 =	sshll.u32 s8, $0x1;
	s5 =	sadd.s32 s6, s20  }
0x9e: {  	s9 =	simm.s32 $0x0;
	s21 =	sshll.u32 s7, $0x1;
	s7 =	sadd.s32 s22, s5  }
0x9f: {  	[timem:s9], [sflag:s23] =	dma.local [hbm:s7], s21  }
0xa0: {  	_ =	swait.ge [sflag:s23], s21  }
0xa1: {  	s6 =	ssub.s32 $0x0, s21;
	[sflag:s23] =	ssyncset.done $0x0  }
0xa2: {  	[sflag:s23] =	ssyncadd.s32 s6;
	_ =	sdelay $0x1  }
0xa3: {  	s24 =	simm.s32 $0x1B8B  }
0xa4: {  	_ =	swait.ge [sflag:s24], $0x1  }
0xa5: {  	[sflag:s24] =	ssyncset.done $0x0  }
0xa6: {  	s25 =	simm.s32 $0x1B8E;
	[sflag:s24] =	ssyncadd.s32 $0xFFFFFFFF  }
0xa7: {  	s26 =	simm.s32 $execute0_lowered;
	[smem:$0x3FD2] =	sst s25  }
0xa8: {  	s6 =	sshll.u32 s26, $0x1;
	_ =	strace $0x80000046;
	[dreg:$0x1] =	wrdreg $0xFFFFFFFF  }
0xa9: {  	s28 =	simm.s32 $_size_execute0_lowered;
	s5 =	sadd.s32 s5, s6;
	[dreg:$0x0] =	wrdreg $0x0  }
0xaa: {  	s6 =	sshll.u32 s28, $0x1;
	[dreg:$0x2] =	wrdreg s5  }
0xab: {  	[dreg:$0x3] =	wrdreg s6  }
0xac: {  	[dreg:$0x4] =	wrdreg $0xC0  }
0xad: {  	_ =	task [dreg:s9], $0x5FFFF  }
0xae: {  	[dreg:$0x1] =	wrdreg $0xFFFFFFFF  }
0xaf: {  	[dreg:$0x0] =	wrdreg $0x60  }
0xb0: {  	[dreg:$0x2] =	wrdreg s2  }
0xb1: {  	[dreg:$0x3] =	wrdreg s19  }
0xb2: {  	[dreg:$0x4] =	wrdreg s4  }
0xb3: {  	[dreg:$0x5] =	wrdreg $0x164000  }
0xb4: {  	[dreg:$0x6] =	wrdreg $0x9  }
0xb5: {  	_ =	task.clear_ibuf [dreg:s9], $0x7FFFF;
	_ =	strace $0x90000046  }
0xb6: {  	s29 =	simm.s32 $0x9;
	_ =	strace $0x80000048  }
0xb7: {  	_ =	swait.ge [sflag:s29], $0x1  }
0xb8: {  	[sflag:s29] =	ssyncadd.s32 $0xFFFFFFFF  }
0xb9: {  	_ =	strace $0x90000048  }
0xba: {  	_ =	sfence  }
0xbb: {  	s30 =	sld [smem:$0x0];
	_ =	sdelay $0x2  }
0xbc: {  	s31 =	sshll.u32 s1, $0xD;
	s1 =	sshrl.u32 s1, $0x2  }
0xbd: {  	s3 =	sand.u32 $0x4000, s31;
	s1 =	sadd.s32 s1, s30  }
0xbe: {  	s0 =	sor.u32 s3, s0;
	s1 =	sshll.u32 s1, $0x11  }
0xbf: {  	s0 =	sor.u32 s1, s0  }
0xc0: {  	s0 =	sadd.s32 $0x8F2B, s0  }
0xc1: {  	[sflag:s0] =	ssyncadd.remote.s32 $0x1  }
0xc2: {  	_ =	sfence.sel $0xFFFF  }
0xc3: {  	[dreg:$0x0] =	wrdreg $0xFFFFFFFF;
	(pc) =	sbr.abs _section_cstart, $3  }
0xc4: {  	[dreg:$0x1] =	wrdreg $0xFFFFFFFF  }
0xc5: {  	_ =	task.clear_ibuf [dreg:s9], $0x2FFFF;
	_ =	strace $0x9FFFFFFF  }
0xc6: {  	(tm) =	ssettm $0x7FFFFFFF  }
0xc7: {  	_ =	shalt  }
tec
execute0_lowered:
.L_overlay_start_1:
0x0: {  	(tag) =	ssettag $0x1  }
0x1: {  	s1 =	rddreg [dreg:$0x0]  }
0x2: {  	s4 =	rddreg [dreg:$0x1]  }
0x3: {  	s2 =	srdreg.scid;
	s9 =	rddreg [dreg:$0x2]  }
0x4: {  	s0 =	stileid.u32;
	s5 =	rddreg [dreg:$0x3];
	s3 =	simm.s32 $0x0  }
0x5: {  	s13 =	simm.s32 $0xA400;
	s15 =	simm.s32 $0xE400;
	s17 =	simm.s32 $0x12400  }
0x6: {  	s18 =	simm.s32 $0x1;
	s21 =	simm.s32 $0x2;
	s22 =	simm.s32 $0x6  }
0x7: {  	s28 =	simm.s32 $0x4;
	s29 =	simm.s32 $0x0;
	s7 =	sand.u32 $0x1, s2  }
0x8: {  	s25 =	sshll.u32 s0, $0x1;
	[smem:$0x7FF] =	sst s3;
	s10 =	smul.u32 $0x640000, s0  }
0x9: {  	s26 =	sshll.u32 s0, $0xF;
	s30 =	smul.u32 $0xC8000, s0;
	s23 =	sshll.u32 s0, $0x6  }
0xa: {  	s6 =	sor.u32 s7, s25;
	s8 =	ssub.s32 $0x2, s7;
	s12 =	smul.u32 $0x320000, s7  }
0xb: {  	_ =	strace $0x80000047;
	s5 =	sadd.s32 s26, s5;
	s31 =	smul.u32 $0x64000, s7  }
0xc: {  	s19 =	sor.u32 $0x1C05, s23;
	s23 =	sor.u32 $0x1C06, s23;
	s25 =	simm.s32 $0x3  }
0xd: {  	s26 =	simm.s32 $0x5;
	s6 =	smul.u32 $0xC80, s6;
	s11 =	sshrl.u32 s8, $0x1  }
.Ltmp0:
0xe: {  	s20 =	sshrl.u32 s5, $0x3;
	s8 =	ssub.s32 s8, s11;
	(pc) =	sbr.rel .LBB2_1-.Ltmp0, $4  }
0xf: {  	s10 =	sadd.s32 s12, s10;
	s11 =	simm.s32 $0x80;
	s12 =	simm.s32 $0x6400  }
0x10: {  	s4 =	sadd.s32 s4, s6;
	s6 =	sadd.s32 $0x4000, s5;
	s10 =	sshrl.u32 s10, $0x3  }
0x11: {  	s7 =	smax.u32 s8, $0x1;
	s8 =	sadd.s32 s10, s9;
	s9 =	sadd.s32 s30, s9  }
0x12: {  	s10 =	simm.s32 $0x7;
	s24 =	sshrl.u32 s6, $0x3;
	s9 =	sadd.s32 s31, s9  }
.LBB2_8:
0x13: {  	s29 =	sadd.s32 $0x1, s29  }
0x14: {  	_ =	swait.ge [sflag:s26], $0x800;
	p0 =	sne.s32 s29, s7  }
.Ltmp1:
0x15: {  	[sflag:s26] =	ssyncset.done $0x0;
	(pc) =	sbr.rel @!p0 .LBB2_9-.Ltmp1, $4  }
0x16: {  	[sflag:s26] =	ssyncadd.s32 $0xFFFFF800  }
0x17: {  	_ =	swait.ge [sflag:s22], $0x800  }
0x18: {  	[sflag:s22] =	ssyncset.done $0x0  }
0x19: {  	[sflag:s22] =	ssyncadd.s32 $0xFFFFF800  }
.LBB2_1:
0x1a: {  	[tilespmem:s3], [sflag:$0x7] =	stream.linear.gather [hbm4b:s4+s3], $0x6400, $0x38;
	[tilespmem:$0x1E400] =	vst v63  }
0x1b: {  	_ =	swait.ge [sflag:s10], $0x6400  }
0x1c: {  	[sflag:s10] =	ssyncset.done $0x0  }
0x1d: {  	[sflag:s10] =	ssyncadd.s32 $0xFFFF9C00  }
0x1e: {  	[tilespmem:s12], [sflag:$0x1] =	stream.indirect.gather [hbm4b:s1+s11], $0x80, s3, s11, $0xb8;
	[tilespmem:$0x1E400] =	vst v63  }
0x1f: {  	_ = 	snop  }
0x20: {  	[tilespmem:s13], [sflag:$0x2] =	stream.indirect.gather [hbm4b:s1+s11], $0x80, s11, s11, $0xb8;
	[tilespmem:$0x1E400] =	vst v63  }
0x21: {  	s0 =	simm.s32 $0x100  }
0x22: {  	[tilespmem:s15], [sflag:$0x3] =	stream.indirect.gather [hbm4b:s1+s11], $0x80, s0, s11, $0xb8;
	[tilespmem:$0x1E400] =	vst v63  }
0x23: {  	s16 =	simm.s32 $0x180;
	s30 =	simm.s32 $0x200;
	s31 =	simm.s32 $0x0  }
0x24: {  	[tilespmem:s17], [sflag:$0x4] =	stream.indirect.gather [hbm4b:s1+s11], $0x80, s16, s11, $0xb8;
	[tilespmem:$0x1E400] =	vst v63  }
.LBB2_2:
0x25: {  	_ =	swait.ge [sflag:s18], $0x4000  }
0x26: {  	p0 =	seq.s32 s31, $0x0;
	[sflag:s18] =	ssyncset.done $0x0  }
0x27: {  	s2 =	simm.s32 @!p0 $0x5;
	[sflag:s18] =	ssyncadd.s32 $0xFFFFC000  }
0x28: {  	_ =	swait.ge @!p0 [sflag:s2], $0x800  }
0x29: {  	[sflag:s2] =	ssyncset.done @!p0 $0x0  }
0x2a: {  	p1 =	sne.s32 s31, $0x62000;
	[sflag:s2] =	ssyncadd.s32 @!p0 $0xFFFFF800  }
0x2b: {  	[spmem:s5] =	stream.linear.scatter [tilespmem:s12], [sflag:$0x7], $0x4000, $0x38;
	[tilespmem:$0x1E400] =	vst v63  }
.Ltmp2:
0x2c: {  	_ = 	snop;
	(pc) =	sbr.rel @p1 .LBB2_4-.Ltmp2, $4  }
0x2d: {  	_ =	swait.ge [sflag:s10], $0x4000  }
0x2e: {  	[sflag:s10] =	ssyncset.done $0x0  }
0x2f: {  	s16 =	sadd.s32 s31, s8;
	[sflag:s10] =	ssyncadd.s32 $0xFFFFC000  }
0x30: {  	[hbm:s16], [sflag:s19] =	dma.local [spmem:s20], $0x800  }
.Ltmp3:
0x31: {  	(pc) =	sbr.rel .LBB2_5-.Ltmp3, $4  }
0x32: {  	_ = 	snop  }
0x33: {  	_ =	swait.ge [sflag:s21], $0x4000  }
0x34: {  	[sflag:s21] =	ssyncset.done $0x0  }
0x35: {  	[sflag:s21] =	ssyncadd.s32 $0xFFFFC000  }
.LBB2_4:
.Ltmp4:
0x36: {  	(pc) =	sbr.rel @p0 .LBB2_6-.Ltmp4, $4  }
0x37: {  	[tilespmem:s12], [sflag:$0x1] =	stream.indirect.gather [hbm4b:s1+s11], $0x80, s30, s11, $0xb8;
	[tilespmem:$0x1E400] =	vst v63  }
0x38: {  	_ =	swait.ge [sflag:s21], $0x4000  }
0x39: {  	[sflag:s21] =	ssyncset.done $0x0  }
0x3a: {  	[sflag:s21] =	ssyncadd.s32 $0xFFFFC000  }
.LBB2_5:
0x3b: {  	_ =	swait.ge [sflag:s22], $0x800  }
0x3c: {  	[sflag:s22] =	ssyncset.done $0x0  }
0x3d: {  	[sflag:s22] =	ssyncadd.s32 $0xFFFFF800  }
.LBB2_6:
0x3e: {  	[spmem:s6] =	stream.linear.scatter [tilespmem:s13], [sflag:$0x7], $0x4000, $0x38;
	[tilespmem:$0x1E400] =	vst v63  }
0x3f: {  	_ =	swait.ge [sflag:s10], $0x4000  }
0x40: {  	s2 =	sadd.s32 s31, s9;
	[sflag:s10] =	ssyncset.done $0x0  }
0x41: {  	p0 =	seq.s32 s31, $0x62000;
	s0 =	sadd.s32 $0x800, s2;
	[sflag:s10] =	ssyncadd.s32 $0xFFFFC000  }
0x42: {  	[hbm:s0], [sflag:s23] =	dma.local [spmem:s24], $0x800  }
0x43: {  	s14 =	simm.s32 @!p0 $0x80;
	s16 =	simm.s32 @!p0 $0xA400;
	s0 =	sadd.s32 @!p0 $0x80, s30  }
0x44: {  	[tilespmem:s16], [sflag:$0x2] =	stream.indirect.gather @!p0 [hbm4b:s1+s14], $0x80, s0, s14, $0xb8;
	[tilespmem:$0x1E400] =	vst v63  }
0x45: {  	_ =	swait.ge [sflag:s25], $0x4000  }
0x46: {  	[sflag:s25] =	ssyncset.done $0x0  }
0x47: {  	[sflag:s25] =	ssyncadd.s32 $0xFFFFC000  }
0x48: {  	_ =	swait.ge [sflag:s26], $0x800  }
0x49: {  	[sflag:s26] =	ssyncset.done $0x0  }
0x4a: {  	[sflag:s26] =	ssyncadd.s32 $0xFFFFF800  }
0x4b: {  	[spmem:s5] =	stream.linear.scatter [tilespmem:s15], [sflag:$0x7], $0x4000, $0x38;
	[tilespmem:$0x1E400] =	vst v63  }
0x4c: {  	_ =	swait.ge [sflag:s10], $0x4000  }
0x4d: {  	[sflag:s10] =	ssyncset.done $0x0  }
0x4e: {  	s16 =	sadd.s32 $0x1000, s2;
	[sflag:s10] =	ssyncadd.s32 $0xFFFFC000  }
0x4f: {  	[hbm:s16], [sflag:s19] =	dma.local [spmem:s20], $0x800  }
0x50: {  	s0 =	sadd.s32 @!p0 $0x100, s30;
	s16 =	simm.s32 @!p0 $0xE400  }
0x51: {  	[tilespmem:s16], [sflag:$0x3] =	stream.indirect.gather @!p0 [hbm4b:s1+s14], $0x80, s0, s14, $0xb8;
	[tilespmem:$0x1E400] =	vst v63  }
0x52: {  	_ =	swait.ge [sflag:s28], $0x4000  }
0x53: {  	[sflag:s28] =	ssyncset.done $0x0  }
0x54: {  	[sflag:s28] =	ssyncadd.s32 $0xFFFFC000  }
0x55: {  	_ =	swait.ge [sflag:s22], $0x800  }
0x56: {  	[sflag:s22] =	ssyncset.done $0x0  }
0x57: {  	[sflag:s22] =	ssyncadd.s32 $0xFFFFF800  }
0x58: {  	[spmem:s6] =	stream.linear.scatter [tilespmem:s17], [sflag:$0x7], $0x4000, $0x38;
	[tilespmem:$0x1E400] =	vst v63  }
.Ltmp5:
0x59: {  	_ = 	snop;
	(pc) =	sbr.rel @p0 .LBB2_8-.Ltmp5, $4  }
0x5a: {  	_ =	swait.ge [sflag:s10], $0x4000  }
0x5b: {  	[sflag:s10] =	ssyncset.done $0x0  }
0x5c: {  	s16 =	sadd.s32 $0x1800, s2;
	[sflag:s10] =	ssyncadd.s32 $0xFFFFC000  }
0x5d: {  	[hbm:s16], [sflag:s23] =	dma.local [spmem:s24], $0x800  }
.Ltmp6:
0x5e: {  	(pc) =	sbr.rel .LBB2_2-.Ltmp6, $3  }
0x5f: {  	_ =	sdelay $0x1  }
0x60: {  	s0 =	sadd.s32 $0x180, s30;
	s31 =	sadd.s32 $0x2000, s31;
	s30 =	sadd.s32 $0x200, s30  }
0x61: {  	[tilespmem:s17], [sflag:$0x4] =	stream.indirect.gather [hbm4b:s1+s11], $0x80, s0, s11, $0xb8;
	[tilespmem:$0x1E400] =	vst v63  }
.LBB2_9:
0x62: {  	_ =	sfence.sel $0x180000  }
0x63: {  	[bflag:$0x0] =	sbarrier.arrive $0xFFFF  }
0x64: {  	_ =	strace $0x90000047  }
0x65: {  	s0 =	stileid.u32;
	[bflag:$0x2] =	sbarrier.arrive $0xFFFF  }
0x66: {  	p0 =	sne.s32 s0, $0x0;
	s0 =	rddreg [dreg:$0x4]  }
0x67: {  	s0 =	sadd.s32 @!p0 $0x100000, s0  }
0x68: {  	[sflag:s0] =	ssyncadd.tile.s32 @!p0 $0x1;
	_ =	shalt  }
.Lfunc_end2:
_tile_overlayer_lowered:
.L_overlay_start_2:
0x69: {  	(tag) =	ssettag $0x2  }
0x6a: {  	s0 =	rddreg [dreg:$0x0];
	s2 =	stileid.u32  }
0x6b: {  	s1 =	rddreg [dreg:$0x1];
	p0 =	sne.s32 s2, $0x0  }
0x6c: {  	s3 =	rddreg [dreg:$0x2];
	[bflag:$0x3] =	sbarrier.arrive $0xFFFF;
	s2 =	simm.s32 @!p0 $0x1C07  }
0x6d: {  	[timem:s3], [sflag:s2] =	dma.local @!p0 [hbm:s0], s1  }
0x6e: {  	s0 =	simm.s32 @!p0 $0x7  }
0x6f: {  	_ =	swait.ge @!p0 [sflag:s0], s1  }
0x70: {  	s1 =	ssub.s32 @!p0 $0x0, s1;
	[sflag:s0] =	ssyncset.done @!p0 $0x0  }
0x71: {  	[sflag:s0] =	ssyncadd.s32 @!p0 s1  }
0x72: {  	[bflag:$0x3] =	sbarrier.arrive $0xFFFF  }
0x73: {  	_ =	shalt  }

</sc_bundles>
